<compile_context>
chip_gen: v7x
topology: tpu7x:2x2x1
jax: 0.10.2.dev20260603
libtpu: 0.0.44.dev20260713+nightly
codegen_flags: <defaults>
</compile_context>

<pallas_src>
import jax
import jax.numpy as jnp
from jax.experimental import pallas as pl
from jax.experimental.pallas import tpu as pltpu

B = 4
N = 20000
C = 512
M_POINT = 1024
NUM_VIEW = 300
GRASPNESS_THRESHOLD = 0.1

NBLK = 5120


def _stage_a_body(w_ref, b_ref, f_ref, noise_ref, sel_ref):
    scores = jax.lax.dot_general(
        w_ref[...], f_ref[...], (((1,), (0,)), ((), ())),
        preferred_element_type=jnp.float32)
    s0 = scores[0, :] + b_ref[0, 0]
    s1 = scores[1, :] + b_ref[0, 1]
    s2 = scores[2, :] + b_ref[0, 2]
    mask = (s1 > s0) & (s2 > GRASPNESS_THRESHOLD)
    sel_ref[0, :] = noise_ref[0, :] + jnp.where(mask, 0.0, -2.0)


def _stage_a(seed_features, noise, W_graspable, b_graspable):
    w8 = jnp.zeros((8, C), jnp.float32).at[:3].set(W_graspable)
    b8 = jnp.zeros((1, 8), jnp.float32).at[0, :3].set(b_graspable)
    grid = (B, (N + NBLK - 1) // NBLK)
    return pl.pallas_call(
        _stage_a_body,
        grid=grid,
        in_specs=[
            pl.BlockSpec((8, C), lambda b, n: (0, 0)),
            pl.BlockSpec((1, 8), lambda b, n: (0, 0)),
            pl.BlockSpec((None, C, NBLK), lambda b, n: (b, 0, n)),
            pl.BlockSpec((None, 1, NBLK), lambda b, n: (b, 0, n)),
        ],
        out_specs=pl.BlockSpec((None, 1, NBLK), lambda b, n: (b, 0, n)),
        out_shape=jax.ShapeDtypeStruct((B, 1, N), jnp.float32),
    )(w8, b8, seed_features, noise.reshape(B, 1, N)).reshape(B, N)


V_PAD = 304


def _view_body(wv_ref, bv_ref, f_ref, vs_ref, am_ref):
    vs = jax.lax.dot_general(
        wv_ref[...], f_ref[...], (((1,), (0,)), ((), ())),
        preferred_element_type=jnp.float32) + bv_ref[0, :][:, None]
    vs_ref[...] = vs
    am_ref[0, :] = jnp.argmax(vs[:NUM_VIEW, :], axis=0).astype(jnp.int32)


def _view_head(feats_g, W_view, b_view):
    wv = jnp.zeros((V_PAD, C), jnp.float32).at[:NUM_VIEW].set(W_view)
    bv = jnp.zeros((1, V_PAD), jnp.float32).at[0, :NUM_VIEW].set(b_view)
    vs, am = pl.pallas_call(
        _view_body,
        grid=(B,),
        in_specs=[
            pl.BlockSpec((V_PAD, C), lambda b: (0, 0)),
            pl.BlockSpec((1, V_PAD), lambda b: (0, 0)),
            pl.BlockSpec((None, C, M_POINT), lambda b: (b, 0, 0)),
        ],
        out_specs=[
            pl.BlockSpec((None, V_PAD, M_POINT), lambda b: (b, 0, 0)),
            pl.BlockSpec((None, 1, M_POINT), lambda b: (b, 0, 0)),
        ],
        out_shape=[
            jax.ShapeDtypeStruct((B, V_PAD, M_POINT), jnp.float32),
            jax.ShapeDtypeStruct((B, 1, M_POINT), jnp.int32),
        ],
    )(wv, bv, feats_g)
    return vs[:, :NUM_VIEW, :], am.reshape(B, M_POINT)


def kernel(seed_xyz, seed_features, noise, W_graspable, b_graspable, W_view, b_view):
    sel = _stage_a(seed_features, noise, W_graspable, b_graspable)
    _, idxs = jax.lax.top_k(sel, M_POINT)
    seed_xyz_graspable = jnp.take_along_axis(seed_xyz, idxs[:, :, None], axis=1)
    feats_g = jnp.take_along_axis(seed_features, idxs[:, None, :], axis=2)
    view_score, grasp_top_view_inds = _view_head(feats_g, W_view, b_view)
    return view_score, seed_xyz_graspable, grasp_top_view_inds

# --- scband reference (transcript-rebuilt; emitter-appended) ---
"""Pipeline reference for scband-grasp-net-64098091925934 (READ-ONLY COPY).

The authoritative reference and input builder live on the scoring server;
editing this copy changes nothing except your own understanding.
"""

import jax, jax.numpy as jnp
import numpy as np

B = 4
N = 20000
C = 512
M_POINT = 1024
NUM_VIEW = 300
GRASPNESS_THRESHOLD = 0.1


def setup_inputs(seed: int = 0) -> dict:
    key = jax.random.key(seed)
    k1, k2, k3, k4, k5 = jax.random.split(key, 5)
    seed_xyz = jax.random.normal(k1, (B, N, 3), dtype=jnp.float32)
    seed_features = jax.random.normal(k2, (B, C, N), dtype=jnp.float32) * 0.1
    noise = jax.random.uniform(k3, (B, N), dtype=jnp.float32)
    # learned params: GraspableNet head (1x1 conv C->3: 2 objectness logits + 1 graspness)
    W_graspable = jax.random.normal(k4, (3, C), dtype=jnp.float32) / np.sqrt(C)
    b_graspable = jnp.zeros((3,), dtype=jnp.float32)
    # ApproachNet view-scoring head (1x1 conv C->NUM_VIEW)
    W_view = jax.random.normal(k5, (NUM_VIEW, C), dtype=jnp.float32) / np.sqrt(C)
    b_view = jnp.zeros((NUM_VIEW,), dtype=jnp.float32)
    return {
        'seed_xyz': seed_xyz,
        'seed_features': seed_features,
        'noise': noise,
        'W_graspable': W_graspable,
        'b_graspable': b_graspable,
        'W_view': W_view,
        'b_view': b_view,
    }


def reference(seed_xyz, seed_features, noise, W_graspable, b_graspable, W_view, b_view):
    # GraspableNet: per-point objectness (2 classes) + graspness score
    scores = jnp.einsum('oc,bcn->bon', W_graspable, seed_features) + b_graspable[None, :, None]
    objectness_score = scores[:, :2, :]          # [B, 2, N]
    graspness_score = scores[:, 2, :]            # [B, N]
    objectness_pred = jnp.argmax(objectness_score, axis=1)  # [B, N]
    objectness_mask = objectness_pred == 1
    graspness_mask = graspness_score > GRASPNESS_THRESHOLD
    graspable_mask = objectness_mask & graspness_mask       # [B, N]
    # Uniform multinomial sampling without replacement over masked points:
    # random-key top-k (Gumbel-style for uniform weights). Unmasked points get
    # priority shifted down by 2 so they only fill in when too few graspable
    # points exist (the 'danger' fallback path in the original code).
    sel_scores = jnp.where(graspable_mask, noise, noise - 2.0)  # [B, N]
    _, idxs = jax.lax.top_k(sel_scores, M_POINT)                # [B, M]
    seed_xyz_graspable = jnp.take_along_axis(seed_xyz, idxs[:, :, None], axis=1)        # [B, M, 3]
    seed_features_graspable = jnp.take_along_axis(seed_features, idxs[:, None, :], axis=2)  # [B, C, M]
    # ApproachNet: score each of NUM_VIEW approach views per sampled point
    view_score = jnp.einsum('vc,bcm->bvm', W_view, seed_features_graspable) + b_view[None, :, None]  # [B, V, M]
    grasp_top_view_inds = jnp.argmax(view_score, axis=1)  # [B, M]
    return view_score, seed_xyz_graspable, grasp_top_view_inds

if __name__ == "__main__":
    import jax
    _d = setup_inputs()
    print(jax.jit(kernel)(*tuple(_d.values())))

</pallas_src>

<mosaic_0001>
module attributes {stable_mosaic.version = 14 : i64} {
  func.func @_stage_a_body(%arg0: i32, %arg1: i32, %arg2: memref<8x512xf32, #tpu.memory_space<vmem>>, %arg3: memref<1x8xf32, #tpu.memory_space<vmem>>, %arg4: memref<1x512x5120xf32, #tpu.memory_space<vmem>>, %arg5: memref<1x1x5120xf32, #tpu.memory_space<vmem>>, %arg6: memref<1x1x5120xf32, #tpu.memory_space<vmem>>) attributes {dimension_semantics = [#tpu.dimension_semantics<arbitrary>, #tpu.dimension_semantics<arbitrary>], iteration_bounds = array<i64: 4, 4>, scalar_prefetch = 0 : i64, scratch_operands = 0 : i64, tpu.core_type = #tpu.core_type<tc>, window_params = [{pipeline_mode = #tpu.pipeline_mode<synchronous>, transform_indices = @transform_0, window_bounds = array<i64: 8, 512>}, {pipeline_mode = #tpu.pipeline_mode<synchronous>, transform_indices = @transform_1, window_bounds = array<i64: 1, 8>}, {transform_indices = @transform_2, window_bounds = array<i64: 1, 512, 5120>}, {transform_indices = @transform_3, window_bounds = array<i64: 1, 1, 5120>}, {transform_indices = @transform_4, window_bounds = array<i64: 1, 1, 5120>}]} {
    %get3A = arith.constant 0 : index
    %get3A_0 = arith.constant 0 : index
    %get3A_1 = vector.load %arg2[%get3A, %get3A_0] : memref<8x512xf32, #tpu.memory_space<vmem>>, vector<8x512xf32>
    %get3A_2 = arith.constant 0 : index
    %get3A_3 = arith.constant 0 : index
    %get3A_4 = arith.constant 0 : index
    %get3A_5 = vector.load %arg4[%get3A_2, %get3A_3, %get3A_4] : memref<1x512x5120xf32, #tpu.memory_space<vmem>>, vector<1x512x5120xf32>
    %get3A_6 = vector.shape_cast %get3A_5 : vector<1x512x5120xf32> to vector<512x5120xf32>
    %dot_general3A = arith.constant dense<0.000000e+00> : vector<8x5120xf32>
    %dot_general3A_7 = tpu.matmul %get3A_1, %get3A_6, %dot_general3A {dimension_numbers = #tpu.dot_dimension_numbers<[1], [0], [0], [1], [0, 0, 1, 1], [], []>, transpose_lhs_hint = false} : vector<8x512xf32>, vector<512x5120xf32>, vector<8x5120xf32> -> vector<8x5120xf32>
    %slice3A = vector.extract_strided_slice %dot_general3A_7 {offsets = [0, 0], sizes = [1, 5120], strides = [1, 1]} : vector<8x5120xf32> to vector<1x5120xf32>
    %squeeze3A = vector.shape_cast %slice3A : vector<1x5120xf32> to vector<5120xf32>
    %get3A_8 = arith.constant 0 : index
    %get3A_9 = arith.constant 0 : index
    %get3A_10 = vector.load %arg3[%get3A_8, %get3A_9] : memref<1x8xf32, #tpu.memory_space<vmem>>, vector<1x1xf32>
    %get3A_11 = vector.extract %get3A_10[0, 0] : f32 from vector<1x1xf32>
    %add3A = vector.broadcast %get3A_11 : f32 to vector<5120xf32>
    %add3A_12 = arith.addf %squeeze3A, %add3A : vector<5120xf32>
    %slice3A_13 = vector.extract_strided_slice %dot_general3A_7 {offsets = [1, 0], sizes = [1, 5120], strides = [1, 1]} : vector<8x5120xf32> to vector<1x5120xf32>
    %squeeze3A_14 = vector.shape_cast %slice3A_13 : vector<1x5120xf32> to vector<5120xf32>
    %get3A_15 = arith.constant 0 : index
    %get3A_16 = arith.constant 1 : index
    %get3A_17 = vector.load %arg3[%get3A_15, %get3A_16] : memref<1x8xf32, #tpu.memory_space<vmem>>, vector<1x1xf32>
    %get3A_18 = vector.extract %get3A_17[0, 0] : f32 from vector<1x1xf32>
    %add3A_19 = vector.broadcast %get3A_18 : f32 to vector<5120xf32>
    %add3A_20 = arith.addf %squeeze3A_14, %add3A_19 : vector<5120xf32>
    %slice3A_21 = vector.extract_strided_slice %dot_general3A_7 {offsets = [2, 0], sizes = [1, 5120], strides = [1, 1]} : vector<8x5120xf32> to vector<1x5120xf32>
    %squeeze3A_22 = vector.shape_cast %slice3A_21 : vector<1x5120xf32> to vector<5120xf32>
    %get3A_23 = arith.constant 0 : index
    %get3A_24 = arith.constant 2 : index
    %get3A_25 = vector.load %arg3[%get3A_23, %get3A_24] : memref<1x8xf32, #tpu.memory_space<vmem>>, vector<1x1xf32>
    %get3A_26 = vector.extract %get3A_25[0, 0] : f32 from vector<1x1xf32>
    %add3A_27 = vector.broadcast %get3A_26 : f32 to vector<5120xf32>
    %add3A_28 = arith.addf %squeeze3A_22, %add3A_27 : vector<5120xf32>
    %gt3A = arith.cmpf ogt, %add3A_20, %add3A_12 : vector<5120xf32>
    %gt3A_29 = arith.constant 1.000000e-01 : f32
    %gt3A_30 = vector.broadcast %gt3A_29 : f32 to vector<5120xf32>
    %gt3A_31 = arith.cmpf ogt, %add3A_28, %gt3A_30 : vector<5120xf32>
    %and3A = arith.andi %gt3A, %gt3A_31 : vector<5120xi1>
    %get3A_32 = arith.constant 0 : index
    %get3A_33 = arith.constant 0 : index
    %get3A_34 = arith.constant 0 : index
    %get3A_35 = vector.load %arg5[%get3A_32, %get3A_33, %get3A_34] : memref<1x1x5120xf32, #tpu.memory_space<vmem>>, vector<1x1x5120xf32>
    %get3A_36 = vector.shape_cast %get3A_35 : vector<1x1x5120xf32> to vector<5120xf32>
    %jit3A = arith.constant 0.000000e+00 : f32
    %jit3A_37 = arith.constant -2.000000e+00 : f32
    %broadcast_in_dim3A = vector.broadcast %jit3A : f32 to vector<5120xf32>
    %broadcast_in_dim3A_38 = vector.broadcast %jit3A_37 : f32 to vector<5120xf32>
    %select_n3A = arith.select %and3A, %broadcast_in_dim3A, %broadcast_in_dim3A_38 : vector<5120xi1>, vector<5120xf32>
    %add3A_39 = arith.addf %get3A_36, %select_n3A : vector<5120xf32>
    %swap3A = arith.constant 0 : index
    %swap3A_40 = arith.constant 0 : index
    %swap3A_41 = arith.constant 0 : index
    %swap3A_42 = vector.load %arg6[%swap3A, %swap3A_40, %swap3A_41] : memref<1x1x5120xf32, #tpu.memory_space<vmem>>, vector<1x1x5120xf32>
    %swap3A_43 = vector.shape_cast %swap3A_42 : vector<1x1x5120xf32> to vector<5120xf32>
    %swap3A_44 = vector.shape_cast %add3A_39 : vector<5120xf32> to vector<1x1x5120xf32>
    tpu.vector_store %arg6[%swap3A, %swap3A_40, %swap3A_41], %swap3A_44 {strides = array<i32>} : memref<1x1x5120xf32, #tpu.memory_space<vmem>>, vector<1x1x5120xf32>,
    return
  }
  func.func @transform_0(%arg0: i32, %arg1: i32) -> (i32, i32) {
    %c0_i32 = arith.constant 0 : i32
    %c0_i32_0 = arith.constant 0 : i32
    %c0_i32_1 = arith.constant 0 : i32
    return %c0_i32, %c0_i32_0 : i32, i32
  }
  func.func @transform_1(%arg0: i32, %arg1: i32) -> (i32, i32) {
    %c0_i32 = arith.constant 0 : i32
    %c0_i32_0 = arith.constant 0 : i32
    %c0_i32_1 = arith.constant 0 : i32
    return %c0_i32, %c0_i32_0 : i32, i32
  }
  func.func @transform_2(%arg0: i32, %arg1: i32) -> (i32, i32, i32) {
    %c0_i32 = arith.constant 0 : i32
    %c0_i32_0 = arith.constant 0 : i32
    return %arg0, %c0_i32, %arg1 : i32, i32, i32
  }
  func.func @transform_3(%arg0: i32, %arg1: i32) -> (i32, i32, i32) {
    %c0_i32 = arith.constant 0 : i32
    %c0_i32_0 = arith.constant 0 : i32
    return %arg0, %c0_i32, %arg1 : i32, i32, i32
  }
  func.func @transform_4(%arg0: i32, %arg1: i32) -> (i32, i32, i32) {
    %c0_i32 = arith.constant 0 : i32
    %c0_i32_0 = arith.constant 0 : i32
    return %arg0, %c0_i32, %arg1 : i32, i32, i32
  }
}

module attributes {stable_mosaic.version = 14 : i64} {
  func.func @_view_body(%arg0: i32, %arg1: memref<304x512xf32, #tpu.memory_space<vmem>>, %arg2: memref<1x304xf32, #tpu.memory_space<vmem>>, %arg3: memref<1x512x1024xf32, #tpu.memory_space<vmem>>, %arg4: memref<1x304x1024xf32, #tpu.memory_space<vmem>>, %arg5: memref<1x1x1024xi32, #tpu.memory_space<vmem>>) attributes {dimension_semantics = [#tpu.dimension_semantics<arbitrary>], iteration_bounds = array<i64: 4>, scalar_prefetch = 0 : i64, scratch_operands = 0 : i64, tpu.core_type = #tpu.core_type<tc>, window_params = [{pipeline_mode = #tpu.pipeline_mode<synchronous>, transform_indices = @transform_0, window_bounds = array<i64: 304, 512>}, {pipeline_mode = #tpu.pipeline_mode<synchronous>, transform_indices = @transform_1, window_bounds = array<i64: 1, 304>}, {transform_indices = @transform_2, window_bounds = array<i64: 1, 512, 1024>}, {transform_indices = @transform_3, window_bounds = array<i64: 1, 304, 1024>}, {transform_indices = @transform_4, window_bounds = array<i64: 1, 1, 1024>}]} {
    %get3A = arith.constant 0 : index
    %get3A_0 = arith.constant 0 : index
    %get3A_1 = vector.load %arg1[%get3A, %get3A_0] : memref<304x512xf32, #tpu.memory_space<vmem>>, vector<304x512xf32>
    %get3A_2 = arith.constant 0 : index
    %get3A_3 = arith.constant 0 : index
    %get3A_4 = arith.constant 0 : index
    %get3A_5 = vector.load %arg3[%get3A_2, %get3A_3, %get3A_4] : memref<1x512x1024xf32, #tpu.memory_space<vmem>>, vector<1x512x1024xf32>
    %get3A_6 = vector.shape_cast %get3A_5 : vector<1x512x1024xf32> to vector<512x1024xf32>
    %dot_general3A = arith.constant dense<0.000000e+00> : vector<304x1024xf32>
    %dot_general3A_7 = tpu.matmul %get3A_1, %get3A_6, %dot_general3A {dimension_numbers = #tpu.dot_dimension_numbers<[1], [0], [0], [1], [0, 0, 1, 1], [], []>, transpose_lhs_hint = false} : vector<304x512xf32>, vector<512x1024xf32>, vector<304x1024xf32> -> vector<304x1024xf32>
    %get3A_8 = arith.constant 0 : index
    %get3A_9 = arith.constant 0 : index
    %get3A_10 = vector.load %arg2[%get3A_8, %get3A_9] : memref<1x304xf32, #tpu.memory_space<vmem>>, vector<1x304xf32>
    %get3A_11 = vector.shape_cast %get3A_10 : vector<1x304xf32> to vector<304xf32>
    %broadcast_in_dim3A = vector.shape_cast %get3A_11 : vector<304xf32> to vector<304x1xf32>
    %add3A = vector.broadcast %broadcast_in_dim3A : vector<304x1xf32> to vector<304x1024xf32>
    %add3A_12 = arith.addf %dot_general3A_7, %add3A : vector<304x1024xf32>
    %swap3A = arith.constant 0 : index
    %swap3A_13 = arith.constant 0 : index
    %swap3A_14 = arith.constant 0 : index
    %swap3A_15 = vector.load %arg4[%swap3A, %swap3A_13, %swap3A_14] : memref<1x304x1024xf32, #tpu.memory_space<vmem>>, vector<1x304x1024xf32>
    %swap3A_16 = vector.shape_cast %swap3A_15 : vector<1x304x1024xf32> to vector<304x1024xf32>
    %swap3A_17 = vector.shape_cast %add3A_12 : vector<304x1024xf32> to vector<1x304x1024xf32>
    tpu.vector_store %arg4[%swap3A, %swap3A_13, %swap3A_14], %swap3A_17 {strides = array<i32>} : memref<1x304x1024xf32, #tpu.memory_space<vmem>>, vector<1x304x1024xf32>,
    %slice3A = vector.extract_strided_slice %add3A_12 {offsets = [0, 0], sizes = [300, 1024], strides = [1, 1]} : vector<304x1024xf32> to vector<300x1024xf32>
    %argmax3A = tpu.reduce_index %slice3A {axis = 0 : i32, kind = #tpu.reduction_kind<arg_max>} : vector<300x1024xf32> -> vector<1024xi32>
    %swap3A_18 = arith.constant 0 : index
    %swap3A_19 = arith.constant 0 : index
    %swap3A_20 = arith.constant 0 : index
    %swap3A_21 = vector.load %arg5[%swap3A_18, %swap3A_19, %swap3A_20] : memref<1x1x1024xi32, #tpu.memory_space<vmem>>, vector<1x1x1024xi32>
    %swap3A_22 = vector.shape_cast %swap3A_21 : vector<1x1x1024xi32> to vector<1024xi32>
    %swap3A_23 = vector.shape_cast %argmax3A : vector<1024xi32> to vector<1x1x1024xi32>
    tpu.vector_store %arg5[%swap3A_18, %swap3A_19, %swap3A_20], %swap3A_23 {strides = array<i32>} : memref<1x1x1024xi32, #tpu.memory_space<vmem>>, vector<1x1x1024xi32>,
    return
  }
  func.func @transform_0(%arg0: i32) -> (i32, i32) {
    %c0_i32 = arith.constant 0 : i32
    %c0_i32_0 = arith.constant 0 : i32
    %c0_i32_1 = arith.constant 0 : i32
    return %c0_i32, %c0_i32_0 : i32, i32
  }
  func.func @transform_1(%arg0: i32) -> (i32, i32) {
    %c0_i32 = arith.constant 0 : i32
    %c0_i32_0 = arith.constant 0 : i32
    %c0_i32_1 = arith.constant 0 : i32
    return %c0_i32, %c0_i32_0 : i32, i32
  }
  func.func @transform_2(%arg0: i32) -> (i32, i32, i32) {
    %c0_i32 = arith.constant 0 : i32
    %c0_i32_0 = arith.constant 0 : i32
    %c0_i32_1 = arith.constant 0 : i32
    return %arg0, %c0_i32, %c0_i32_0 : i32, i32, i32
  }
  func.func @transform_3(%arg0: i32) -> (i32, i32, i32) {
    %c0_i32 = arith.constant 0 : i32
    %c0_i32_0 = arith.constant 0 : i32
    %c0_i32_1 = arith.constant 0 : i32
    return %arg0, %c0_i32, %c0_i32_0 : i32, i32, i32
  }
  func.func @transform_4(%arg0: i32) -> (i32, i32, i32) {
    %c0_i32 = arith.constant 0 : i32
    %c0_i32_0 = arith.constant 0 : i32
    %c0_i32_1 = arith.constant 0 : i32
    return %arg0, %c0_i32, %c0_i32_0 : i32, i32, i32
  }
}

</mosaic_0001>

<sc_bundles>
// kernel: gather_offload_async_start.1
scs
__scs_entry_jumppad:
0x0: {  	(pc) =	sbr.rel $0x88, $3  }
0x1: {  	(tag) =	ssettag $0x0;
	lr =	simm.s32 $0x1  }
0x2: {  	[smem:$0x3F9A] =	sst lr;
	_ =	strace $0xD0000000  }
0x3: {  	_ = 	snop  }
0x4: {  	_ = 	snop  }
0x5: {  	_ = 	snop  }
0x6: {  	_ = 	snop  }
0x7: {  	_ = 	snop  }
__scs_overlays_trampoline_lowered:
0x8: {  	[smem:$0x3FA9] =	sst s0  }
0x9: {  	[smem:$0x3FAA] =	sst s1  }
0xa: {  	[smem:$0x3FAB] =	sst s2  }
0xb: {  	[smem:$0x3FAC] =	sst s3  }
0xc: {  	[smem:$0x3FAD] =	sst s4  }
0xd: {  	[smem:$0x3FAE] =	sst s5  }
0xe: {  	[smem:$0x3FAF] =	sst s6  }
0xf: {  	[smem:$0x3FB0] =	sst s7  }
0x10: {  	[smem:$0x3FB1] =	sst s8  }
0x11: {  	[smem:$0x3FB2] =	sst s9;
	s0 =	simm.s32 @!p0 $0x0  }
0x12: {  	s1 =	sld [smem:$0x3F98];
	s0 =	simm.s32 @p0 $0x1  }
0x13: {  	[smem:$0x3FB3] =	sst s0;
	s0 =	simm.s32 @!p1 $0x0  }
0x14: {  	s2 =	sld [smem:$0x3F97];
	s0 =	simm.s32 @p1 $0x1  }
0x15: {  	[smem:$0x3FB4] =	sst s0;
	s0 =	simm.s32 @!p2 $0x0  }
0x16: {  	s3 =	sld [smem:$0x3FDB];
	s0 =	simm.s32 @p2 $0x1  }
0x17: {  	s4 =	simm.s32 $0x1BF5;
	[smem:$0x3FB6] =	sst s0  }
0x18: {  	s0 =	sld [smem:$0x3F99];
	_ =	swait.ge [sflag:s4], $0x0  }
0x19: {  	s7 =	sld [smem:$0x3F9A]  }
0x1a: {  	s8 =	sadd.s32 $0xFFFFE003, lr  }
0x1b: {  	s9 =	sadd.s32 $0xFFFFFEF7, lr;
	s5 =	simm.s32 $0xFFFFFFFF;
	p2 =	slt.u32 s8, $0xFFFFF086  }
0x1c: {  	p1 =	slt.u32 s9, $0xF7A;
	s5 =	simm.s32 @!p2 $0x0  }
0x1d: {  	s5 =	simm.s32 @p1 $0x1;
	p0 =	seq.s32 s7, s2  }
0x1e: {  	s7 =	smul.u32 @!p0 $0xF7A, s2;
	p2 =	seq.s32 @!p0 s5, $0x0  }
0x1f: {  	s9 =	smul.u32 $0xF7A, s1;
	s8 =	simm.s32 @!p0 $0x1BF5;
	p2 =	por !p2, p0  }
0x20: {  	[sflag:s8] =	ssyncset.s32 @!p0 $0xFFFFF086;
	s6 =	sadd.s32 @!p0 s3, s7;
	s7 =	simm.s32 @!p0 $0x108  }
0x21: {  	s3 =	sadd.s32 s3, s9;
	s6 =	sadd.s32 @!p0 $0x88, s6;
	s7 =	simm.s32 @p2 $0x1082  }
0x22: {  	[simem:s7], [sflag:s8] =	dma.local @!p0 [hbm:s6], $0xF7A  }
0x23: {  	s9 =	sor.u32 $0xD0000000, s2;
	s6 =	simm.s32 $0x108;
	_ =	swait.ge @!p0 [sflag:s8], $0x0  }
0x24: {  	s3 =	sadd.s32 $0x88, s3;
	s6 =	simm.s32 @!p1 $0x1082;
	[sflag:s4] =	ssyncset.s32 $0xFFFFF086  }
0x25: {  	[simem:s6], [sflag:s4] =	dma.local [hbm:s3], $0xF7A  }
0x26: {  	[smem:$0x3F9A] =	sst s1;
	(tag) =	ssettag s2;
	_ =	strace s9  }
0x27: {  	s1 =	sld [smem:$0x3FAA]  }
0x28: {  	s2 =	sld [smem:$0x3FAB]  }
0x29: {  	s4 =	sld [smem:$0x3FAD]  }
0x2a: {  	p0 =	seq.s32 s5, $0x0;
	s5 =	sld [smem:$0x3FAE]  }
0x2b: {  	s6 =	sld [smem:$0x3FAF]  }
0x2c: {  	s7 =	sld [smem:$0x3FB0]  }
0x2d: {  	s3 =	simm.s32 $0x108;
	s8 =	sld [smem:$0x3FB1]  }
0x2e: {  	s3 =	simm.s32 @!p0 $0x1082;
	s9 =	sld [smem:$0x3FB2]  }
0x2f: {  	lr =	sadd.s32 s0, s3;
	s0 =	sld [smem:$0x3FA9]  }
0x30: {  	s3 =	sld [smem:$0x3FAC]  }
0x31: {  	[smem:$0x3FB5] =	sst s10  }
0x32: {  	s10 =	sld [smem:$0x3FB3];
	_ =	sdelay $0x3  }
0x33: {  	p0 =	seq.s32 s10, $0x1;
	s10 =	sld [smem:$0x3FB5];
	_ =	sdelay $0x3  }
0x34: {  	[smem:$0x3FB5] =	sst s10  }
0x35: {  	s10 =	sld [smem:$0x3FB4];
	_ =	sdelay $0x3  }
0x36: {  	p1 =	seq.s32 s10, $0x1;
	s10 =	sld [smem:$0x3FB5];
	_ =	sdelay $0x3  }
0x37: {  	[smem:$0x3FB5] =	sst s10  }
0x38: {  	s10 =	sld [smem:$0x3FB6]  }
0x39: {  	_ = 	snop;
	(pc) =	sbr.ind lr, $3  }
0x3a: {  	_ = 	snop  }
0x3b: {  	_ = 	snop  }
0x3c: {  	p2 =	seq.s32 s10, $0x1;
	s10 =	sld [smem:$0x3FB5]  }
0x3d: {  	_ =	shalt  }
0x3e: {  	_ =	shalt  }
0x3f: {  	_ =	shalt  }
0x40: {  	_ =	shalt  }
0x41: {  	_ =	shalt  }
0x42: {  	_ =	shalt  }
0x43: {  	_ =	shalt  }
0x44: {  	_ =	shalt  }
0x45: {  	_ =	shalt  }
0x46: {  	_ =	shalt  }
0x47: {  	_ =	shalt  }
0x48: {  	_ =	shalt  }
0x49: {  	_ =	shalt  }
0x4a: {  	_ =	shalt  }
0x4b: {  	_ =	shalt  }
0x4c: {  	_ =	shalt  }
0x4d: {  	_ =	shalt  }
0x4e: {  	_ =	shalt  }
0x4f: {  	_ =	shalt  }
0x50: {  	_ =	shalt  }
0x51: {  	_ =	shalt  }
0x52: {  	_ =	shalt  }
0x53: {  	_ =	shalt  }
0x54: {  	_ =	shalt  }
0x55: {  	_ =	shalt  }
0x56: {  	_ =	shalt  }
0x57: {  	_ =	shalt  }
0x58: {  	_ =	shalt  }
0x59: {  	_ =	shalt  }
0x5a: {  	_ =	shalt  }
0x5b: {  	_ =	shalt  }
0x5c: {  	_ =	shalt  }
0x5d: {  	_ =	shalt  }
0x5e: {  	_ =	shalt  }
0x5f: {  	_ =	shalt  }
0x60: {  	_ =	shalt  }
0x61: {  	_ =	shalt  }
0x62: {  	_ =	shalt  }
0x63: {  	_ =	shalt  }
0x64: {  	_ =	shalt  }
0x65: {  	_ =	shalt  }
0x66: {  	_ =	shalt  }
0x67: {  	_ =	shalt  }
0x68: {  	_ =	shalt  }
0x69: {  	_ =	shalt  }
0x6a: {  	_ =	shalt  }
0x6b: {  	_ =	shalt  }
0x6c: {  	_ =	shalt  }
0x6d: {  	_ =	shalt  }
0x6e: {  	_ =	shalt  }
0x6f: {  	_ =	shalt  }
0x70: {  	_ =	shalt  }
0x71: {  	_ =	shalt  }
0x72: {  	_ =	shalt  }
0x73: {  	_ =	shalt  }
0x74: {  	_ =	shalt  }
0x75: {  	_ =	shalt  }
0x76: {  	_ =	shalt  }
0x77: {  	_ =	shalt  }
0x78: {  	_ =	shalt  }
0x79: {  	_ =	shalt  }
0x7a: {  	_ =	shalt  }
0x7b: {  	_ =	shalt  }
0x7c: {  	_ =	shalt  }
0x7d: {  	_ =	shalt  }
0x7e: {  	_ =	shalt  }
0x7f: {  	_ =	shalt  }
0x80: {  	_ =	shalt  }
0x81: {  	_ =	shalt  }
0x82: {  	_ =	shalt  }
0x83: {  	_ =	shalt  }
0x84: {  	_ =	shalt  }
0x85: {  	_ =	shalt  }
0x86: {  	_ =	shalt  }
0x87: {  	_ =	shalt  }
.Lfunc_end0:
.L_simem_size_0:
called_computation.1_lowered:
.L_overlay_start_0:
0x88: {  	s2 =	sld [smem:$0x3FD9]  }
0x89: {  	s3 =	sld [smem:$0x3FFE];
	_ =	sdelay $0x1  }
0x8a: {  	s1 =	srdreg.scid  }
0x8b: {  	s0 =	sand.u32 $0x1, s1  }
0x8c: {  	s14 =	sshll.u32 s0, $0xA;
	s2 =	sadd.s32 s3, s2  }
0x8d: {  	s2 =	sadd.s32 s2, s14  }
0x8e: {  	[smem:$0x3FC1] =	sst s2  }
0x8f: {  	_ = 	snop  }
0x90: {  	s2 =	sld [smem:$0x3FD0];
	_ =	sdelay $0x2  }
0x91: {  	s15 =	simm.s32 $0xB;
	s4 =	simm.s32 $0x10  }
0x92: {  	[smem:s4], [sflag:s15] =	dma.local [hbm:s2], $0x1  }
0x93: {  	_ =	swait.eq [sflag:s15], $0x1  }
0x94: {  	[sflag:s15] =	ssyncset.done $0x0  }
0x95: {  	s16 =	sld [smem:$0x10];
	[sflag:s15] =	ssyncadd.s32 $0xFFFFFFFF  }
0x96: {  	s17 =	sld [smem:$0x12];
	(tm) =	ssettm $0x1  }
0x97: {  	s18 =	sld [smem:$0x3FFB];
	_ =	sdelay $0x3  }
0x98: {  	_ =	strace s18  }
0x99: {  	s4 =	sld [smem:$0x3FFC];
	_ =	sdelay $0x3  }
0x9a: {  	_ =	strace s4  }
0x9b: {  	s4 =	sld [smem:$0x3FFD];
	_ =	sdelay $0x3  }
0x9c: {  	_ =	strace s4  }
0x9d: {  	_ =	strace $0x8FFFFFFF  }
0x9e: {  	s19 =	sld [smem:$0x3FDB];
	_ =	sdelay $0x1  }
0x9f: {  	s5 =	simm.s32 $_scs_section_size  }
0xa0: {  	s6 =	simm.s32 $_size__tile_overlayer_lowered;
	s7 =	simm.s32 $_tile_overlayer_lowered  }
0xa1: {  	s22 =	simm.s32 $0x1BFF;
	s21 =	sshll.u32 s7, $0x1;
	s4 =	sadd.s32 s5, s19  }
0xa2: {  	s8 =	simm.s32 $0x0;
	s20 =	sshll.u32 s6, $0x1;
	s6 =	sadd.s32 s21, s4  }
0xa3: {  	[timem:s8], [sflag:s22] =	dma.local [hbm:s6], s20  }
0xa4: {  	_ =	swait.ge [sflag:s22], s20  }
0xa5: {  	s5 =	ssub.s32 $0x0, s20;
	[sflag:s22] =	ssyncset.done $0x0  }
0xa6: {  	[sflag:s22] =	ssyncadd.s32 s5;
	_ =	sdelay $0x1  }
0xa7: {  	s23 =	simm.s32 $0x1B8B  }
0xa8: {  	_ =	swait.ge [sflag:s23], $0x1  }
0xa9: {  	[sflag:s23] =	ssyncset.done $0x0  }
0xaa: {  	s25 =	simm.s32 $0x1B8E;
	s24 =	sld [smem:$0x3FFE];
	[sflag:s23] =	ssyncadd.s32 $0xFFFFFFFF  }
0xab: {  	s26 =	simm.s32 $execute0_lowered;
	[smem:$0x3FD2] =	sst s25  }
0xac: {  	s6 =	sshll.u32 s26, $0x1;
	_ =	strace $0x80000046;
	[dreg:$0x1] =	wrdreg $0xFFFFFFFF  }
0xad: {  	s28 =	simm.s32 $_size_execute0_lowered;
	s4 =	sadd.s32 s4, s6;
	[dreg:$0x0] =	wrdreg $0x0  }
0xae: {  	s6 =	sshll.u32 s28, $0x1;
	[dreg:$0x2] =	wrdreg s4  }
0xaf: {  	[dreg:$0x3] =	wrdreg s6  }
0xb0: {  	[dreg:$0x4] =	wrdreg $0xC0  }
0xb1: {  	_ =	task [dreg:s8], $0x5FFFF  }
0xb2: {  	[dreg:$0x1] =	wrdreg $0xFFFFFFFF  }
0xb3: {  	[dreg:$0x0] =	wrdreg $0x60  }
0xb4: {  	[dreg:$0x2] =	wrdreg s24  }
0xb5: {  	[dreg:$0x3] =	wrdreg s17  }
0xb6: {  	[dreg:$0x4] =	wrdreg s16  }
0xb7: {  	[dreg:$0x5] =	wrdreg $0xA  }
0xb8: {  	_ =	task.clear_ibuf [dreg:s8], $0x6FFFF;
	_ =	strace $0x90000046  }
0xb9: {  	s29 =	simm.s32 $0xA;
	_ =	strace $0x80000048  }
0xba: {  	_ =	swait.ge [sflag:s29], $0x1  }
0xbb: {  	[sflag:s29] =	ssyncadd.s32 $0xFFFFFFFF  }
0xbc: {  	_ =	strace $0x90000048  }
0xbd: {  	_ =	sfence  }
0xbe: {  	s30 =	sld [smem:$0x0];
	_ =	sdelay $0x2  }
0xbf: {  	s31 =	sshll.u32 s1, $0xD;
	s1 =	sshrl.u32 s1, $0x2  }
0xc0: {  	s3 =	sand.u32 $0x4000, s31;
	s1 =	sadd.s32 s1, s30  }
0xc1: {  	s0 =	sor.u32 s3, s0;
	s1 =	sshll.u32 s1, $0x11  }
0xc2: {  	s0 =	sor.u32 s1, s0  }
0xc3: {  	s0 =	sadd.s32 $0x8F2B, s0  }
0xc4: {  	[sflag:s0] =	ssyncadd.remote.s32 $0x1  }
0xc5: {  	_ =	sfence.sel $0xFFFF  }
0xc6: {  	[dreg:$0x0] =	wrdreg $0xFFFFFFFF;
	(pc) =	sbr.abs _section_cstart, $3  }
0xc7: {  	[dreg:$0x1] =	wrdreg $0xFFFFFFFF  }
0xc8: {  	_ =	task.clear_ibuf [dreg:s8], $0x2FFFF;
	_ =	strace $0x9FFFFFFF  }
0xc9: {  	(tm) =	ssettm $0x7FFFFFFF  }
tec
execute0_lowered:
.L_overlay_start_1:
0x0: {  	(tag) =	ssettag $0x1  }
0x1: {  	s2 =	rddreg [dreg:$0x0]  }
0x2: {  	s3 =	rddreg [dreg:$0x1]  }
0x3: {  	s4 =	rddreg [dreg:$0x2]  }
0x4: {  	s0 =	rddreg [dreg:$0x3];
	s1 =	srdreg.scid  }
0x5: {  	_ =	strace $0x80000047;
	s5 =	simm.s32 $0x1;
	s6 =	sshll.u32 s1, $0x4  }
.Ltmp0:
0x6: {  	s1 =	stileid.u32;
	s6 =	sand.u32 $0x10, s6;
	(pc) =	sbr.rel .LBB2_1-.Ltmp0, $4  }
0x7: {  	s9 =	simm.s32 $0x3;
	s12 =	simm.s32 $0x0;
	s7 =	sor.u32 s1, s6  }
0x8: {  	[sflag:s5] =	ssyncpa.u1 $0x0;
	s6 =	simm.s32 $0x2;
	s7 =	sshll.u32 s7, $0x7  }
0x9: {  	s10 =	simm.s32 $0x0;
	[sflag:s6] =	ssyncpa.u1 $0x0;
	s8 =	sadd.s32 $0x80, s7  }
0xa: {  	vm0 =	vmmov $0xff;
	vm1 =	vcmask $0x3F20;
	[sflag:s9] =	ssyncpa.u1 $0x0;
	s9 =	simm.s32 $0x80;
	s11 =	smov.u32 s7  }
.LBB2_9:
0xb: {  	p0 =	seq.s32 s10, $0x2  }
.Ltmp1:
0xc: {  	_ = 	snop;
	(pc) =	sbr.rel @p0 .LBB2_11-.Ltmp1, $1  }
0xd: {  	_ =	sdelay $0x3  }
.LBB2_10:
0xe: {  	s12 =	sadd.s32 $0x80, s11  }
0xf: {  	s13 =	smov.u32 s7;
	p0 =	slt.s32 s12, s8  }
0x10: {  	s13 =	smov.u32 @p0 s12  }
0x11: {  	s10 =	sadd.s32 $0x1, s10;
	s12 =	smov.u32 s11;
	s11 =	smov.u32 s13  }
.LBB2_1:
0x12: {  	p0 =	sne.s32 s10, $0x0  }
.Ltmp2:
0x13: {  	_ = 	snop;
	(pc) =	sbr.rel @!p0 .LBB2_2-.Ltmp2, $1  }
0x14: {  	_ =	sdelay $0x3  }
0x15: {  	s13 =	sand.u32 $0x1, s10  }
0x16: {  	p0 =	seq.s32 s13, $0x0  }
.Ltmp3:
0x17: {  	_ = 	snop;
	(pc) =	sbr.rel @p0 .LBB2_9-.Ltmp3, $1  }
0x18: {  	_ =	sdelay $0x3  }
0x19: {  	_ =	swait.ge [sflag:s6], $0x80  }
0x1a: {  	[sflag:s6] =	ssyncset.done $0x0  }
0x1b: {  	s13 =	simm.s32 $0x0;
	[sflag:s6] =	ssyncadd.s32 $0xFFFFFF80  }
0x1c: {  	v0 =	vld.msk [tilespmem:s13+$0x80 ss:$0x1], $0xffff;
	_ =	sdelay $0x4  }
0x1d: {  	v1 =	vand.u32 $0x3, v0;
	v2 =	vshll.u32 v0, $0x5  }
0x1e: {  	vm2 =	veq.s32 v0, $0x80000000;
	v0 =	vmul.u32 $0x271000, v1;
	v1 =	vand.u32 $0x3FFF80, v2  }
0x1f: {  	v1 =	vsel vm2, $0xFFFFFF80, v1  }
0x20: {  	v0 =	vsel vm2, $0xFFD8F000, v0;
	v2 =	vand.u32 $0xFFFFFC00, v1  }
0x21: {  	v1 =	vand.u32 $0x380, v1;
	v0 =	vadd.s32 v0, v2  }
0x22: {  	v0 =	vor.u32 v1, v0  }
0x23: {  	v0 =	vshrl.u32 v0, $0x3;
	_ =	sdelay $0x3  }
0x24: {  	s13 =	simm.s32 $0x4100  }
0x25: {  	[tilespmem:s13], [sflag:$0x1] =	stream.indirect_vreg.gather [hbm:s2], $0x80, v0, vm0, $0x38;
	[tilespmem:$0x8100] =	vst v63  }
0x26: {  	s14 =	simm.s32 $0x4500;
	s31 =	simm.s32 $0x10  }
0x27: {  	[tilespmem:s14], [sflag:$0x1] =	stream.indirect_vreg.gather [hbm:s2], $0x80, v0, vm1, $0x38;
	[tilespmem:$0x8100] =	vst v63  }
0x28: {  	s14 =	simm.s32 $0x80;
	v0 =	vld.msk [tilespmem:s31+$0x80 ss:$0x1], $0xffff  }
.LBB2_5:
0x29: {  	p0 =	sne.s32 s14, $0x1C0;
	_ =	sdelay $0x4  }
0x2a: {  	v1 =	vand.u32 $0x3, v0;
	v2 =	vshll.u32 v0, $0x5  }
0x2b: {  	vm2 =	veq.s32 v0, $0x80000000;
	v0 =	vmul.u32 $0x271000, v1;
	v1 =	vand.u32 $0x3FFF80, v2  }
0x2c: {  	v1 =	vsel vm2, $0xFFFFFF80, v1  }
0x2d: {  	v0 =	vsel vm2, $0xFFD8F000, v0;
	v2 =	vand.u32 $0xFFFFFC00, v1  }
0x2e: {  	v1 =	vand.u32 $0x380, v1;
	v0 =	vadd.s32 v0, v2  }
0x2f: {  	v0 =	vor.u32 v1, v0  }
0x30: {  	v0 =	vshrl.u32 v0, $0x3;
	_ =	sdelay $0x3  }
.Ltmp4:
0x31: {  	s13 =	sadd.s32 $0x800, s13;
	(pc) =	sbr.rel @p0 .LBB2_5-.Ltmp4, $4  }
0x32: {  	[tilespmem:s13], [sflag:$0x1] =	stream.indirect_vreg.gather [hbm:s2], $0x80, v0, vm0, $0x38;
	[tilespmem:$0x8100] =	vst v63  }
0x33: {  	s15 =	sshra.s32 s14, $0x2;
	s16 =	sadd.s32 $0x400, s13  }
0x34: {  	[tilespmem:s16], [sflag:$0x1] =	stream.indirect_vreg.gather [hbm:s2], $0x80, v0, vm1, $0x38;
	[tilespmem:$0x8100] =	vst v63  }
0x35: {  	s14 =	sadd.s32 $0x40, s14;
	v0 =	vld.msk [tilespmem:s15+$0x80 ss:$0x1], $0xffff  }
0x36: {  	_ =	sdelay $0x3  }
0x37: {  	v1 =	vand.u32 $0x3, v0;
	v2 =	vshll.u32 v0, $0x5  }
0x38: {  	vm2 =	veq.s32 v0, $0x80000000;
	v61 =	vmul.u32 $0x271000, v1;
	v62 =	vand.u32 $0x3FFF80, v2  }
0x39: {  	v1 =	vsel vm2, $0xFFFFFF80, v62  }
0x3a: {  	v0 =	vsel vm2, $0xFFD8F000, v61;
	v63 =	vand.u32 $0xFFFFFC00, v1  }
0x3b: {  	v1 =	vand.u32 $0x380, v1;
	v0 =	vadd.s32 v0, v63  }
0x3c: {  	v0 =	vor.u32 v1, v0  }
0x3d: {  	v0 =	vshrl.u32 v0, $0x3;
	_ =	sdelay $0x3  }
0x3e: {  	s13 =	sadd.s32 $0x800, s13  }
0x3f: {  	[tilespmem:s13], [sflag:$0x1] =	stream.indirect_vreg.gather [hbm:s2], $0x80, v0, vm0, $0x38;
	[tilespmem:$0x8100] =	vst v63  }
0x40: {  	s13 =	sadd.s32 $0x400, s13  }
0x41: {  	[tilespmem:s13], [sflag:$0x1] =	stream.indirect_vreg.gather [hbm:s2], $0x80, v0, vm1, $0x38;
	[tilespmem:$0x8100] =	vst v63  }
0x42: {  	s12 =	sshll.u32 s12, $0x4;
	s14 =	simm.s32 $0x80;
	_ =	swait.ge [sflag:s5], $0x4000  }
0x43: {  	s15 =	simm.s32 $0x4500;
	s12 =	sadd.s32 s12, s4;
	[sflag:s5] =	ssyncset.done $0x0  }
0x44: {  	s16 =	sadd.s32 $0x0, s12;
	s13 =	simm.s32 $0x4100;
	[sflag:s5] =	ssyncadd.s32 $0xFFFFC000  }
.LBB2_7:
0x45: {  	[hbm:s16] =	stream.linear.scatter [tilespmem:s13], [sflag:$0x3], $0x400, $0x38;
	[tilespmem:$0x8100] =	vst v63  }
0x46: {  	s16 =	smov.u32 s14;
	s13 =	smov.u32 s15;
	p0 =	sne.s32 s14, $0x780  }
.Ltmp5:
0x47: {  	s14 =	sadd.s32 $0x80, s14;
	(pc) =	sbr.rel @p0 .LBB2_7-.Ltmp5, $2  }
0x48: {  	_ =	sdelay $0x2  }
0x49: {  	s15 =	sadd.s32 $0x400, s15;
	s16 =	sadd.s32 s16, s12  }
.Ltmp6:
0x4a: {  	(pc) =	sbr.rel .LBB2_9-.Ltmp6, $2  }
0x4b: {  	_ =	sdelay $0x2  }
0x4c: {  	[hbm:s16] =	stream.linear.scatter [tilespmem:s13], [sflag:$0x3], $0x400, $0x38;
	[tilespmem:$0x8100] =	vst v63  }
.LBB2_2:
.Ltmp7:
0x4d: {  	(pc) =	sbr.rel .LBB2_10-.Ltmp7, $4  }
0x4e: {  	_ = 	snop  }
0x4f: {  	s12 =	sshrl.u32 s11, $0x3  }
0x50: {  	s13 =	sand.u32 $0x7, s11;
	s12 =	sadd.s32 s3, s12  }
0x51: {  	[tilespmem:s9], [sflag:$0x2] =	stream.linear.gather [hbm4b:s12+s13], $0x80, $0x38;
	[tilespmem:$0x8100] =	vst v63  }
.LBB2_11:
0x52: {  	s2 =	simm.s32 $0x3  }
0x53: {  	_ =	swait.ge [sflag:s2], $0x4000  }
0x54: {  	[sflag:s2] =	ssyncset.done $0x0  }
0x55: {  	[sflag:s2] =	ssyncadd.s32 $0xFFFFC000  }
0x56: {  	_ =	sfence.sel $0x180000  }
0x57: {  	s3 =	simm.s32 $0x2;
	[bflag:$0x0] =	sbarrier.arrive $0xFFFF  }
0x58: {  	[sflag:s3] =	ssyncpa.u1 $0x1  }
0x59: {  	s31 =	simm.s32 $0x1;
	[sflag:s2] =	ssyncpa.u1 $0x1  }
0x5a: {  	[sflag:s31] =	ssyncpa.u1 $0x1  }
0x5b: {  	p0 =	sne.s32 s1, $0x0;
	_ =	strace $0x90000047  }
0x5c: {  	s0 =	sadd.s32 @!p0 $0x100000, s0;
	[bflag:$0x2] =	sbarrier.arrive $0xFFFF  }
0x5d: {  	[sflag:s0] =	ssyncadd.tile.s32 @!p0 $0x1;
	_ =	shalt  }
.Lfunc_end2:
_tile_overlayer_lowered:
.L_overlay_start_2:
0x5e: {  	(tag) =	ssettag $0x2  }
0x5f: {  	s0 =	rddreg [dreg:$0x0];
	s2 =	stileid.u32  }
0x60: {  	s1 =	rddreg [dreg:$0x1];
	p0 =	sne.s32 s2, $0x0  }
0x61: {  	s3 =	rddreg [dreg:$0x2];
	[bflag:$0x3] =	sbarrier.arrive $0xFFFF;
	s2 =	simm.s32 @!p0 $0x1C01  }
0x62: {  	[timem:s3], [sflag:s2] =	dma.local @!p0 [hbm:s0], s1  }
0x63: {  	s0 =	simm.s32 @!p0 $0x1  }
0x64: {  	_ =	swait.ge @!p0 [sflag:s0], s1  }
0x65: {  	s1 =	ssub.s32 @!p0 $0x0, s1;
	[sflag:s0] =	ssyncset.done @!p0 $0x0  }
0x66: {  	[sflag:s0] =	ssyncadd.s32 @!p0 s1  }
0x67: {  	[bflag:$0x3] =	sbarrier.arrive $0xFFFF  }
0x68: {  	_ =	shalt  }

// kernel: gather_offload_async_start
scs
__scs_entry_jumppad:
0x0: {  	(pc) =	sbr.rel $0x88, $3  }
0x1: {  	(tag) =	ssettag $0x0;
	lr =	simm.s32 $0x1  }
0x2: {  	[smem:$0x3F9A] =	sst lr;
	_ =	strace $0xD0000000  }
0x3: {  	_ = 	snop  }
0x4: {  	_ = 	snop  }
0x5: {  	_ = 	snop  }
0x6: {  	_ = 	snop  }
0x7: {  	_ = 	snop  }
__scs_overlays_trampoline_lowered:
0x8: {  	[smem:$0x3FA9] =	sst s0  }
0x9: {  	[smem:$0x3FAA] =	sst s1  }
0xa: {  	[smem:$0x3FAB] =	sst s2  }
0xb: {  	[smem:$0x3FAC] =	sst s3  }
0xc: {  	[smem:$0x3FAD] =	sst s4  }
0xd: {  	[smem:$0x3FAE] =	sst s5  }
0xe: {  	[smem:$0x3FAF] =	sst s6  }
0xf: {  	[smem:$0x3FB0] =	sst s7  }
0x10: {  	[smem:$0x3FB1] =	sst s8  }
0x11: {  	[smem:$0x3FB2] =	sst s9;
	s0 =	simm.s32 @!p0 $0x0  }
0x12: {  	s1 =	sld [smem:$0x3F98];
	s0 =	simm.s32 @p0 $0x1  }
0x13: {  	[smem:$0x3FB3] =	sst s0;
	s0 =	simm.s32 @!p1 $0x0  }
0x14: {  	s2 =	sld [smem:$0x3F97];
	s0 =	simm.s32 @p1 $0x1  }
0x15: {  	[smem:$0x3FB4] =	sst s0;
	s0 =	simm.s32 @!p2 $0x0  }
0x16: {  	s3 =	sld [smem:$0x3FDB];
	s0 =	simm.s32 @p2 $0x1  }
0x17: {  	s4 =	simm.s32 $0x1BF5;
	[smem:$0x3FB6] =	sst s0  }
0x18: {  	s0 =	sld [smem:$0x3F99];
	_ =	swait.ge [sflag:s4], $0x0  }
0x19: {  	s7 =	sld [smem:$0x3F9A]  }
0x1a: {  	s8 =	sadd.s32 $0xFFFFE003, lr  }
0x1b: {  	s9 =	sadd.s32 $0xFFFFFEF7, lr;
	s5 =	simm.s32 $0xFFFFFFFF;
	p2 =	slt.u32 s8, $0xFFFFF086  }
0x1c: {  	p1 =	slt.u32 s9, $0xF7A;
	s5 =	simm.s32 @!p2 $0x0  }
0x1d: {  	s5 =	simm.s32 @p1 $0x1;
	p0 =	seq.s32 s7, s2  }
0x1e: {  	s7 =	smul.u32 @!p0 $0xF7A, s2;
	p2 =	seq.s32 @!p0 s5, $0x0  }
0x1f: {  	s9 =	smul.u32 $0xF7A, s1;
	s8 =	simm.s32 @!p0 $0x1BF5;
	p2 =	por !p2, p0  }
0x20: {  	[sflag:s8] =	ssyncset.s32 @!p0 $0xFFFFF086;
	s6 =	sadd.s32 @!p0 s3, s7;
	s7 =	simm.s32 @!p0 $0x108  }
0x21: {  	s3 =	sadd.s32 s3, s9;
	s6 =	sadd.s32 @!p0 $0x88, s6;
	s7 =	simm.s32 @p2 $0x1082  }
0x22: {  	[simem:s7], [sflag:s8] =	dma.local @!p0 [hbm:s6], $0xF7A  }
0x23: {  	s9 =	sor.u32 $0xD0000000, s2;
	s6 =	simm.s32 $0x108;
	_ =	swait.ge @!p0 [sflag:s8], $0x0  }
0x24: {  	s3 =	sadd.s32 $0x88, s3;
	s6 =	simm.s32 @!p1 $0x1082;
	[sflag:s4] =	ssyncset.s32 $0xFFFFF086  }
0x25: {  	[simem:s6], [sflag:s4] =	dma.local [hbm:s3], $0xF7A  }
0x26: {  	[smem:$0x3F9A] =	sst s1;
	(tag) =	ssettag s2;
	_ =	strace s9  }
0x27: {  	s1 =	sld [smem:$0x3FAA]  }
0x28: {  	s2 =	sld [smem:$0x3FAB]  }
0x29: {  	s4 =	sld [smem:$0x3FAD]  }
0x2a: {  	p0 =	seq.s32 s5, $0x0;
	s5 =	sld [smem:$0x3FAE]  }
0x2b: {  	s6 =	sld [smem:$0x3FAF]  }
0x2c: {  	s7 =	sld [smem:$0x3FB0]  }
0x2d: {  	s3 =	simm.s32 $0x108;
	s8 =	sld [smem:$0x3FB1]  }
0x2e: {  	s3 =	simm.s32 @!p0 $0x1082;
	s9 =	sld [smem:$0x3FB2]  }
0x2f: {  	lr =	sadd.s32 s0, s3;
	s0 =	sld [smem:$0x3FA9]  }
0x30: {  	s3 =	sld [smem:$0x3FAC]  }
0x31: {  	[smem:$0x3FB5] =	sst s10  }
0x32: {  	s10 =	sld [smem:$0x3FB3];
	_ =	sdelay $0x3  }
0x33: {  	p0 =	seq.s32 s10, $0x1;
	s10 =	sld [smem:$0x3FB5];
	_ =	sdelay $0x3  }
0x34: {  	[smem:$0x3FB5] =	sst s10  }
0x35: {  	s10 =	sld [smem:$0x3FB4];
	_ =	sdelay $0x3  }
0x36: {  	p1 =	seq.s32 s10, $0x1;
	s10 =	sld [smem:$0x3FB5];
	_ =	sdelay $0x3  }
0x37: {  	[smem:$0x3FB5] =	sst s10  }
0x38: {  	s10 =	sld [smem:$0x3FB6]  }
0x39: {  	_ = 	snop;
	(pc) =	sbr.ind lr, $3  }
0x3a: {  	_ = 	snop  }
0x3b: {  	_ = 	snop  }
0x3c: {  	p2 =	seq.s32 s10, $0x1;
	s10 =	sld [smem:$0x3FB5]  }
0x3d: {  	_ =	shalt  }
0x3e: {  	_ =	shalt  }
0x3f: {  	_ =	shalt  }
0x40: {  	_ =	shalt  }
0x41: {  	_ =	shalt  }
0x42: {  	_ =	shalt  }
0x43: {  	_ =	shalt  }
0x44: {  	_ =	shalt  }
0x45: {  	_ =	shalt  }
0x46: {  	_ =	shalt  }
0x47: {  	_ =	shalt  }
0x48: {  	_ =	shalt  }
0x49: {  	_ =	shalt  }
0x4a: {  	_ =	shalt  }
0x4b: {  	_ =	shalt  }
0x4c: {  	_ =	shalt  }
0x4d: {  	_ =	shalt  }
0x4e: {  	_ =	shalt  }
0x4f: {  	_ =	shalt  }
0x50: {  	_ =	shalt  }
0x51: {  	_ =	shalt  }
0x52: {  	_ =	shalt  }
0x53: {  	_ =	shalt  }
0x54: {  	_ =	shalt  }
0x55: {  	_ =	shalt  }
0x56: {  	_ =	shalt  }
0x57: {  	_ =	shalt  }
0x58: {  	_ =	shalt  }
0x59: {  	_ =	shalt  }
0x5a: {  	_ =	shalt  }
0x5b: {  	_ =	shalt  }
0x5c: {  	_ =	shalt  }
0x5d: {  	_ =	shalt  }
0x5e: {  	_ =	shalt  }
0x5f: {  	_ =	shalt  }
0x60: {  	_ =	shalt  }
0x61: {  	_ =	shalt  }
0x62: {  	_ =	shalt  }
0x63: {  	_ =	shalt  }
0x64: {  	_ =	shalt  }
0x65: {  	_ =	shalt  }
0x66: {  	_ =	shalt  }
0x67: {  	_ =	shalt  }
0x68: {  	_ =	shalt  }
0x69: {  	_ =	shalt  }
0x6a: {  	_ =	shalt  }
0x6b: {  	_ =	shalt  }
0x6c: {  	_ =	shalt  }
0x6d: {  	_ =	shalt  }
0x6e: {  	_ =	shalt  }
0x6f: {  	_ =	shalt  }
0x70: {  	_ =	shalt  }
0x71: {  	_ =	shalt  }
0x72: {  	_ =	shalt  }
0x73: {  	_ =	shalt  }
0x74: {  	_ =	shalt  }
0x75: {  	_ =	shalt  }
0x76: {  	_ =	shalt  }
0x77: {  	_ =	shalt  }
0x78: {  	_ =	shalt  }
0x79: {  	_ =	shalt  }
0x7a: {  	_ =	shalt  }
0x7b: {  	_ =	shalt  }
0x7c: {  	_ =	shalt  }
0x7d: {  	_ =	shalt  }
0x7e: {  	_ =	shalt  }
0x7f: {  	_ =	shalt  }
0x80: {  	_ =	shalt  }
0x81: {  	_ =	shalt  }
0x82: {  	_ =	shalt  }
0x83: {  	_ =	shalt  }
0x84: {  	_ =	shalt  }
0x85: {  	_ =	shalt  }
0x86: {  	_ =	shalt  }
0x87: {  	_ =	shalt  }
.Lfunc_end0:
.L_simem_size_0:
called_computation_lowered:
.L_overlay_start_0:
0x88: {  	s2 =	sld [smem:$0x3FD9]  }
0x89: {  	s3 =	sld [smem:$0x3FFE];
	_ =	sdelay $0x1  }
0x8a: {  	s1 =	srdreg.scid  }
0x8b: {  	s0 =	sand.u32 $0x1, s1  }
0x8c: {  	s15 =	sshll.u32 s0, $0xA;
	s2 =	sadd.s32 s3, s2  }
0x8d: {  	s2 =	sadd.s32 s2, s15  }
0x8e: {  	[smem:$0x3FC1] =	sst s2  }
0x8f: {  	_ = 	snop  }
0x90: {  	s16 =	sld [smem:$0x3FD0];
	_ =	sdelay $0x2  }
0x91: {  	s4 =	simm.s32 $0xB;
	s5 =	simm.s32 $0x10;
	s2 =	sld [smem:$0x3FC8]  }
0x92: {  	[smem:s5], [sflag:s4] =	dma.local [hbm:s16], $0x1  }
0x93: {  	_ =	swait.eq [sflag:s4], $0x1  }
0x94: {  	[sflag:s4] =	ssyncset.done $0x0  }
0x95: {  	[sflag:s4] =	ssyncadd.s32 $0xFFFFFFFF  }
0x96: {  	s17 =	sld [smem:$0x12];
	(tm) =	ssettm $0x1  }
0x97: {  	s18 =	sld [smem:$0x3FFB];
	_ =	sdelay $0x3  }
0x98: {  	_ =	strace s18  }
0x99: {  	s3 =	sld [smem:$0x3FFC];
	_ =	sdelay $0x3  }
0x9a: {  	_ =	strace s3  }
0x9b: {  	s3 =	sld [smem:$0x3FFD];
	_ =	sdelay $0x3  }
0x9c: {  	_ =	strace s3  }
0x9d: {  	_ =	strace $0x8FFFFFFF  }
0x9e: {  	s19 =	sld [smem:$0x3FDB];
	_ =	sdelay $0x1  }
0x9f: {  	s20 =	simm.s32 $_scs_section_size  }
0xa0: {  	s6 =	simm.s32 $_size__tile_overlayer_lowered;
	s7 =	simm.s32 $_tile_overlayer_lowered  }
0xa1: {  	s8 =	simm.s32 $0x1BFF;
	s21 =	sshll.u32 s7, $0x1;
	s5 =	sadd.s32 s20, s19  }
0xa2: {  	s22 =	simm.s32 $0x0;
	s6 =	sshll.u32 s6, $0x1;
	s7 =	sadd.s32 s21, s5  }
0xa3: {  	[timem:s22], [sflag:s8] =	dma.local [hbm:s7], s6  }
0xa4: {  	_ =	swait.ge [sflag:s8], s6  }
0xa5: {  	s6 =	ssub.s32 $0x0, s6;
	[sflag:s8] =	ssyncset.done $0x0  }
0xa6: {  	[sflag:s8] =	ssyncadd.s32 s6;
	_ =	sdelay $0x1  }
0xa7: {  	s23 =	simm.s32 $0x1B8B  }
0xa8: {  	_ =	swait.ge [sflag:s23], $0x1  }
0xa9: {  	[sflag:s23] =	ssyncset.done $0x0  }
0xaa: {  	[sflag:s23] =	ssyncadd.s32 $0xFFFFFFFF  }
0xab: {  	s6 =	sld [smem:$0x0]  }
0xac: {  	s7 =	sand.u32 $0xFFFFFFFE, s1  }
0xad: {  	p0 =	sne.s32 s1, s7  }
0xae: {  	s7 =	sshll.u32 @p0 s7, $0xE  }
0xaf: {  	s7 =	sadd.s32 @p0 $0x11B8D, s7;
	s8 =	sshll.u32 @p0 s6, $0x11  }
0xb0: {  	s7 =	sor.u32 @p0 s8, s7  }
0xb1: {  	[sflag:s7] =	ssyncadd.remote.s32 @p0 $0x1;
	_ =	sdelay $0x1  }
0xb2: {  	s7 =	simm.s32 @p0 $0x1B8D  }
0xb3: {  	_ =	swait.eq @p0 [sflag:s7], $0x1  }
0xb4: {  	[sflag:s7] =	ssyncadd.s32 @p0 $0xFFFFFFFF  }
0xb5: {  	s8 =	sshll.u32 @!p0 s1, $0xE  }
0xb6: {  	s8 =	sor.u32 @!p0 $0x4000, s8;
	s7 =	simm.s32 @!p0 $0x1B8D  }
0xb7: {  	s6 =	sshll.u32 @!p0 s6, $0x11;
	s8 =	sadd.s32 @!p0 $0x11B8D, s8;
	_ =	swait.eq @!p0 [sflag:s7], $0x1  }
0xb8: {  	s6 =	sor.u32 @!p0 s6, s8;
	[sflag:s7] =	ssyncadd.s32 @!p0 $0xFFFFFFFF  }
0xb9: {  	s25 =	simm.s32 $0x1B8E;
	s24 =	sld [smem:$0x3FFE];
	[sflag:s6] =	ssyncadd.remote.s32 @!p0 $0x1  }
0xba: {  	s26 =	simm.s32 $execute0_lowered;
	[smem:$0x3FD2] =	sst s25  }
0xbb: {  	s7 =	sshll.u32 s26, $0x1;
	_ =	strace $0x80000049;
	[dreg:$0x1] =	wrdreg $0xFFFFFFFF  }
0xbc: {  	s28 =	simm.s32 $_size_execute0_lowered;
	s5 =	sadd.s32 s5, s7;
	[dreg:$0x0] =	wrdreg $0x0  }
0xbd: {  	s7 =	sshll.u32 s28, $0x1;
	[dreg:$0x2] =	wrdreg s5  }
0xbe: {  	[dreg:$0x3] =	wrdreg s7  }
0xbf: {  	[dreg:$0x4] =	wrdreg $0xC0  }
0xc0: {  	_ =	task [dreg:s22], $0x5FFFF  }
0xc1: {  	[dreg:$0x1] =	wrdreg $0xFFFFFFFF  }
0xc2: {  	[dreg:$0x0] =	wrdreg $0x60  }
0xc3: {  	[dreg:$0x2] =	wrdreg s2  }
0xc4: {  	[dreg:$0x3] =	wrdreg s17  }
0xc5: {  	[dreg:$0x4] =	wrdreg s24  }
0xc6: {  	[dreg:$0x5] =	wrdreg $0x9  }
0xc7: {  	_ =	task.clear_ibuf [dreg:s22], $0x6FFFF;
	_ =	strace $0x90000049  }
0xc8: {  	s29 =	simm.s32 $0x9;
	_ =	strace $0x8000004B  }
0xc9: {  	_ =	swait.ge [sflag:s29], $0x1  }
0xca: {  	[sflag:s29] =	ssyncadd.s32 $0xFFFFFFFF  }
0xcb: {  	_ =	strace $0x9000004B  }
0xcc: {  	_ =	sfence  }
0xcd: {  	s30 =	sld [smem:$0x0];
	_ =	sdelay $0x2  }
0xce: {  	s31 =	sshll.u32 s1, $0xD;
	s1 =	sshrl.u32 s1, $0x2  }
0xcf: {  	s4 =	sand.u32 $0x4000, s31;
	s1 =	sadd.s32 s1, s30  }
0xd0: {  	s0 =	sor.u32 s4, s0;
	s1 =	sshll.u32 s1, $0x11  }
0xd1: {  	s0 =	sor.u32 s1, s0  }
0xd2: {  	s0 =	sadd.s32 $0x8F2B, s0  }
0xd3: {  	[sflag:s0] =	ssyncadd.remote.s32 $0x1  }
0xd4: {  	_ =	sfence.sel $0xFFFF  }
0xd5: {  	[dreg:$0x0] =	wrdreg $0xFFFFFFFF;
	(pc) =	sbr.abs _section_cstart, $3  }
0xd6: {  	[dreg:$0x1] =	wrdreg $0xFFFFFFFF  }
0xd7: {  	_ =	task.clear_ibuf [dreg:s22], $0x2FFFF;
	_ =	strace $0x9FFFFFFF  }
0xd8: {  	(tm) =	ssettm $0x7FFFFFFF  }
0xd9: {  	_ =	shalt  }
tec
execute0_lowered:
.L_overlay_start_1:
0x0: {  	(tag) =	ssettag $0x1  }
0x1: {  	s2 =	rddreg [dreg:$0x0]  }
0x2: {  	s3 =	rddreg [dreg:$0x1]  }
0x3: {  	s7 =	rddreg [dreg:$0x2]  }
0x4: {  	s0 =	rddreg [dreg:$0x3];
	s1 =	srdreg.scid;
	_ =	strace $0x8000004A  }
0x5: {  	s4 =	simm.s32 $0x1;
	s9 =	simm.s32 $0x3;
	s5 =	sshll.u32 s1, $0x4  }
.Ltmp0:
0x6: {  	s1 =	stileid.u32;
	s5 =	sand.u32 $0x10, s5;
	(pc) =	sbr.rel .LBB2_1-.Ltmp0, $4  }
0x7: {  	s11 =	simm.s32 $0x0;
	p0 =	por $0x0, $0x0;
	s6 =	sor.u32 s1, s5  }
0x8: {  	[sflag:s4] =	ssyncpa.u1 $0x0;
	s5 =	simm.s32 $0x2;
	s6 =	sshll.u32 s6, $0x7  }
0x9: {  	s7 =	sadd.s32 $0x138800, s7;
	[sflag:s5] =	ssyncpa.u1 $0x0;
	s8 =	sadd.s32 $0x80, s6  }
0xa: {  	vm0 =	vmmov $0xff;
	vm1 =	vcmask $0x3F20;
	[sflag:s9] =	ssyncpa.u1 $0x0;
	s10 =	smov.u32 s6;
	s9 =	simm.s32 $0x0  }
.LBB2_9:
0xb: {  	p1 =	slt.u32 s9, $0x2;
	s11 =	sadd.s32 $0x40, s10  }
0xc: {  	s13 =	smov.u32 s6;
	s9 =	sadd.s32 $0x1, s9;
	p2 =	slt.s32 s11, s8  }
0xd: {  	s13 =	smov.u32 @p2 s11;
	p2 =	sne.s32 s9, $0x4  }
.Ltmp1:
0xe: {  	_ = 	snop;
	(pc) =	sbr.rel @!p2 .LBB2_10-.Ltmp1, $4  }
0xf: {  	s12 =	simm.s32 @!p1 $0x3  }
0x10: {  	_ =	swait.ge @!p1 [sflag:s12], $0x8000  }
0x11: {  	p0 =	por !p0, !p0;
	[sflag:s12] =	ssyncset.done @!p1 $0x0  }
0x12: {  	s11 =	smov.u32 s10;
	s10 =	smov.u32 s13;
	[sflag:s12] =	ssyncadd.s32 @!p1 $0xFFFF8000  }
.LBB2_1:
0x13: {  	p1 =	sgt.u32 s9, $0x1  }
0x14: {  	s12 =	sshll.u32 @!p1 s9, $0x6;
	s13 =	sshrl.u32 @!p1 s10, $0x3  }
0x15: {  	s14 =	sand.u32 @!p1 $0x7, s10;
	s12 =	sxor.u32 @!p1 $0x40, s12;
	s13 =	sadd.s32 @!p1 s3, s13  }
0x16: {  	[tilespmem:s12], [sflag:$0x2] =	stream.linear.gather @!p1 [hbm4b:s13+s14], $0x40, $0x38;
	[tilespmem:$0x10080] =	vst v63  }
0x17: {  	p1 =	seq.s32 s9, $0x0  }
0x18: {  	p2 =	seq.s32 @!p1 s9, $0x3  }
0x19: {  	p1 =	por p1, p2  }
.Ltmp2:
0x1a: {  	_ = 	snop;
	(pc) =	sbr.rel @p1 .LBB2_9-.Ltmp2, $1  }
0x1b: {  	_ =	sdelay $0x3  }
0x1c: {  	s12 =	simm.s32 $0x1  }
0x1d: {  	s12 =	simm.s32 @!p0 $0x0  }
0x1e: {  	_ =	swait.ge [sflag:s5], $0x40;
	s13 =	sand.u32 $0x1, s9;
	s12 =	sshll.u32 s12, $0xF  }
0x1f: {  	s14 =	simm.s32 $0x0;
	[sflag:s5] =	ssyncset.done $0x0;
	s12 =	sor.u32 $0x80, s12  }
0x20: {  	s13 =	sshll.u32 s13, $0x6;
	[sflag:s5] =	ssyncadd.s32 $0xFFFFFFC0;
	s15 =	smov.u32 s12  }
.LBB2_3:
0x21: {  	s16 =	sshll.u32 s14, $0x4  }
0x22: {  	s16 =	sand.u32 $0x3FFFFFF0, s16  }
0x23: {  	s16 =	sadd.s32 s16, s13  }
0x24: {  	v0 =	vld.msk [tilespmem:s16+$0x0 ss:$0x1], $0xffff;
	_ =	sdelay $0x4  }
0x25: {  	v1 =	vshrl.u32 v0, $0x2  }
0x26: {  	vm2 =	veq.s32 v0, $0x80000000;
	v0 =	vand.u32 $0x3, v0;
	v1 =	vand.u32 $0x7FFF, v1  }
0x27: {  	v0 =	vmul.u32 $0x9C4000, v0;
	v1 =	vsel vm2, $0xFFFFFFFF, v1  }
0x28: {  	v2 =	vshll.u32 v1, $0x9  }
0x29: {  	v0 =	vsel vm2, $0xFF63C000, v0;
	v1 =	vshll.u32 v1, $0x7;
	v2 =	vand.u32 $0xFFFFF000, v2  }
0x2a: {  	v1 =	vand.u32 $0x380, v1;
	v0 =	vadd.s32 v0, v2  }
0x2b: {  	v0 =	vor.u32 v1, v0  }
0x2c: {  	v0 =	vshrl.u32 v0, $0x3;
	_ =	sdelay $0x3  }
0x2d: {  	s17 =	sadd.s32 $0x0, s15  }
0x2e: {  	[tilespmem:s17], [sflag:$0x1] =	stream.indirect_vreg.gather [hbm:s2], $0x80, v0, vm0, $0x38;
	[tilespmem:$0x10080] =	vst v63  }
0x2f: {  	s16 =	simm.s32 $0x1000;
	v1 =	vadd.s32 $0x80, v0;
	s17 =	sadd.s32 $0x1000, s17  }
.LBB2_4:
0x30: {  	[tilespmem:s17], [sflag:$0x1] =	stream.indirect_vreg.gather [hbm:s2], $0x80, v0, vm1, $0x38;
	[tilespmem:$0x10080] =	vst v63  }
0x31: {  	v0 =	vmov v1;
	s17 =	smov.u32 s16;
	p1 =	sne.s32 s16, $0x3000  }
.Ltmp3:
0x32: {  	s16 =	sadd.s32 $0x1000, s16;
	(pc) =	sbr.rel @p1 .LBB2_4-.Ltmp3, $4  }
0x33: {  	s17 =	sshra.s32 s17, $0x2  }
0x34: {  	s17 =	sadd.s32 s17, s15  }
0x35: {  	[tilespmem:s17], [sflag:$0x1] =	stream.indirect_vreg.gather [hbm:s2], $0x80, v1, vm0, $0x38;
	[tilespmem:$0x10080] =	vst v63  }
0x36: {  	s17 =	sadd.s32 $0x1000, s17;
	v1 =	vadd.s32 $0x80, v1  }
0x37: {  	s14 =	sadd.s32 $0x1, s14  }
0x38: {  	p1 =	sne.s32 s14, $0x4  }
.Ltmp4:
0x39: {  	_ = 	snop;
	(pc) =	sbr.rel @p1 .LBB2_3-.Ltmp4, $3  }
0x3a: {  	_ =	sdelay $0x1  }
0x3b: {  	[tilespmem:s17], [sflag:$0x1] =	stream.indirect_vreg.gather [hbm:s2], $0x80, v0, vm1, $0x38;
	[tilespmem:$0x10080] =	vst v63  }
0x3c: {  	s15 =	sadd.s32 $0x2000, s15  }
0x3d: {  	s13 =	sshll.u32 s11, $0x6  }
0x3e: {  	s31 =	sshll.u32 s11, $0x4;
	s13 =	sand.u32 $0xFFFFFE00, s13  }
0x3f: {  	_ =	swait.ge [sflag:s4], $0x8000;
	s11 =	sand.u32 $0x70, s31;
	s13 =	sadd.s32 s13, s7  }
0x40: {  	s14 =	sadd.s32 $0x1000, s12;
	[sflag:s4] =	ssyncset.done $0x0;
	s11 =	sadd.s32 s11, s13  }
0x41: {  	[sflag:s4] =	ssyncadd.s32 $0xFFFF8000;
	s13 =	simm.s32 $0x200;
	s15 =	sadd.s32 $0x0, s11  }
.LBB2_7:
0x42: {  	[hbm:s15] =	stream.linear.scatter [tilespmem:s12], [sflag:$0x3], $0x1000, $0x38;
	[tilespmem:$0x10080] =	vst v63  }
0x43: {  	s15 =	smov.u32 s13;
	s12 =	smov.u32 s14;
	p1 =	sne.s32 s13, $0xE00  }
.Ltmp5:
0x44: {  	s13 =	sadd.s32 $0x200, s13;
	(pc) =	sbr.rel @p1 .LBB2_7-.Ltmp5, $2  }
0x45: {  	_ =	sdelay $0x2  }
0x46: {  	s14 =	sadd.s32 $0x1000, s14;
	s15 =	sadd.s32 s15, s11  }
.Ltmp6:
0x47: {  	(pc) =	sbr.rel .LBB2_9-.Ltmp6, $2  }
0x48: {  	_ =	sdelay $0x2  }
0x49: {  	[hbm:s15] =	stream.linear.scatter [tilespmem:s12], [sflag:$0x3], $0x1000, $0x38;
	[tilespmem:$0x10080] =	vst v63  }
.LBB2_10:
0x4a: {  	_ =	sfence.sel $0x180000  }
0x4b: {  	s2 =	simm.s32 $0x2;
	[bflag:$0x0] =	sbarrier.arrive $0xFFFF  }
0x4c: {  	s30 =	simm.s32 $0x3;
	[sflag:s2] =	ssyncpa.u1 $0x1  }
0x4d: {  	s31 =	simm.s32 $0x1;
	[sflag:s30] =	ssyncpa.u1 $0x1  }
0x4e: {  	[sflag:s31] =	ssyncpa.u1 $0x1  }
0x4f: {  	p0 =	sne.s32 s1, $0x0;
	_ =	strace $0x9000004A  }
0x50: {  	s0 =	sadd.s32 @!p0 $0x100000, s0;
	[bflag:$0x2] =	sbarrier.arrive $0xFFFF  }
0x51: {  	[sflag:s0] =	ssyncadd.tile.s32 @!p0 $0x1;
	_ =	shalt  }
.Lfunc_end2:
_tile_overlayer_lowered:
.L_overlay_start_2:
0x52: {  	(tag) =	ssettag $0x2  }
0x53: {  	s0 =	rddreg [dreg:$0x0];
	s2 =	stileid.u32  }
0x54: {  	s1 =	rddreg [dreg:$0x1];
	p0 =	sne.s32 s2, $0x0  }
0x55: {  	s3 =	rddreg [dreg:$0x2];
	[bflag:$0x3] =	sbarrier.arrive $0xFFFF;
	s2 =	simm.s32 @!p0 $0x1C01  }
0x56: {  	[timem:s3], [sflag:s2] =	dma.local @!p0 [hbm:s0], s1  }
0x57: {  	s0 =	simm.s32 @!p0 $0x1  }
0x58: {  	_ =	swait.ge @!p0 [sflag:s0], s1  }
0x59: {  	s1 =	ssub.s32 @!p0 $0x0, s1;
	[sflag:s0] =	ssyncset.done @!p0 $0x0  }
0x5a: {  	[sflag:s0] =	ssyncadd.s32 @!p0 s1  }
0x5b: {  	[bflag:$0x3] =	sbarrier.arrive $0xFFFF  }
0x5c: {  	_ =	shalt  }

</sc_bundles>
